<compile_context>
chip_gen: v7x
topology: tpu7x:2x2x1
jax: 0.10.2.dev20260603
libtpu: 0.0.44.dev20260713+nightly
codegen_flags: <defaults>
</compile_context>

<pallas_src>
import functools

import jax
import jax.numpy as jnp
from jax import lax
from jax.experimental import pallas as pl
from jax.experimental.pallas import tpu as pltpu
from jax.experimental.pallas import tpu_sc as plsc

_D = 256
_N = 8192
_T = 2304
_BETA = 0.25

_NB = 512
_TB = 2304

_BIGF = 3e38
_BIGI = 2**30


_SUB = 128


def _scan_body(e_ref, x_ref, iv_ref, mv_ref, xt_ref, v1_ref, i1_ref):
    n = pl.program_id(1)

    @pl.when(n == 0)
    def _():
        xt_ref[...] = x_ref[...].T * -2.0

    xt = xt_ref[...]
    m8 = None
    for sb in range(_NB // _SUB):
        ef = e_ref[pl.ds(sb * _SUB, _SUB), :]
        s = jnp.dot(ef, xt, preferred_element_type=jnp.float32)
        esq = jnp.sum(ef * ef, axis=1, keepdims=True)
        dist = (s + esq).reshape(_SUB // 8, 8, _TB)
        row = (n * _NB + sb * _SUB
               + lax.broadcasted_iota(jnp.int32, dist.shape, 0) * 8
               + lax.broadcasted_iota(jnp.int32, dist.shape, 1))
        msb = jnp.min(dist, axis=0)
        isb = jnp.min(jnp.where(dist == msb[None], row, _BIGI), axis=0)
        if m8 is None:
            m8, id8 = msb, isb
        else:
            upd = msb < m8
            m8 = jnp.where(upd, msb, m8)
            id8 = jnp.where(upd, isb, id8)

    @pl.when(n == 0)
    def _():
        v1_ref[...] = m8
        i1_ref[...] = id8

    @pl.when(n > 0)
    def _():
        v1, i1 = v1_ref[...], i1_ref[...]
        better = m8 < v1
        v1_ref[...] = jnp.where(better, m8, v1)
        i1_ref[...] = jnp.where(better, id8, i1)

    @pl.when(n == pl.num_programs(1) - 1)
    def _():
        cval, cidx = v1_ref[...], i1_ref[...]
        m = jnp.min(cval, axis=0, keepdims=True)
        mv_ref[...] = m
        iv_ref[...] = jnp.min(jnp.where(cval == m, cidx, _BIGI),
                              axis=0, keepdims=True)


def _vq_scan(emb, x2):
    return pl.pallas_call(
        _scan_body,
        grid=(_T // _TB, _N // _NB),
        in_specs=[
            pl.BlockSpec((_NB, _D), lambda t, n: (n, 0)),
            pl.BlockSpec((_TB, _D), lambda t, n: (t, 0)),
        ],
        out_specs=[
            pl.BlockSpec((1, _TB), lambda t, n: (0, t)),
            pl.BlockSpec((1, _TB), lambda t, n: (0, t)),
        ],
        out_shape=[
            jax.ShapeDtypeStruct((1, _T), jnp.int32),
            jax.ShapeDtypeStruct((1, _T), jnp.float32),
        ],
        scratch_shapes=[
            pltpu.VMEM((_D, _TB), jnp.float32),
            pltpu.VMEM((8, _TB), jnp.float32),
            pltpu.VMEM((8, _TB), jnp.int32),
        ],
    )(emb, x2)


def _sc_gather(table, idx):
    info = plsc.get_sparse_core_info()
    nc, ns = info.num_cores, info.num_subcores
    nw = nc * ns
    chunk = _T // nw
    mesh = plsc.VectorSubcoreMesh(core_axis_name="c", subcore_axis_name="s")

    h0 = 40
    h1 = chunk - h0

    @functools.partial(
        pl.kernel,
        mesh=mesh,
        out_type=jax.ShapeDtypeStruct((_T, _D), jnp.float32),
        scratch_types=[
            pltpu.VMEM((chunk,), jnp.int32),
            pltpu.VMEM((chunk, _D), jnp.float32),
            pltpu.SemaphoreType.DMA,
            pltpu.SemaphoreType.DMA,
        ],
    )
    def k(table_hbm, idx_hbm, out_hbm, idx_v, rows_v, sem_g, sem_o):
        wid = lax.axis_index("s") * nc + lax.axis_index("c")
        base = wid * chunk
        pltpu.sync_copy(idx_hbm.at[pl.ds(base, chunk)], idx_v)
        r0 = rows_v.at[pl.ds(0, h0)]
        r1 = rows_v.at[pl.ds(h0, h1)]
        g0 = pltpu.async_copy(table_hbm.at[idx_v.at[pl.ds(0, h0)]], r0, sem_g)
        g1 = pltpu.async_copy(table_hbm.at[idx_v.at[pl.ds(h0, h1)]], r1, sem_g)
        g0.wait()
        o0 = pltpu.async_copy(r0, out_hbm.at[pl.ds(base, h0)], sem_o)
        g1.wait()
        o1 = pltpu.async_copy(r1, out_hbm.at[pl.ds(base + h0, h1)], sem_o)
        o0.wait()
        o1.wait()

    return k(table, idx)


def _mlp_body(x_ref, z_ref, mv_ref, w1_ref, b1_ref, w2_ref, b2_ref,
              zout_ref, loss_ref):
    t = pl.program_id(0)
    x = x_ref[...]
    z = z_ref[...]
    r = x - z
    h = jnp.maximum(
        jnp.dot(r, w1_ref[...], preferred_element_type=jnp.float32)
        + b1_ref[...], 0.0)
    zout_ref[...] = (z + jnp.dot(h, w2_ref[...],
                                 preferred_element_type=jnp.float32)
                     + b2_ref[...])
    psum = (jnp.sum(mv_ref[...], keepdims=True)
            + jnp.sum(x * x, keepdims=True))
    prev = jnp.where(t == 0, jnp.zeros_like(psum), loss_ref[...])
    tot = prev + psum
    nblk = pl.num_programs(0)
    loss_ref[...] = jnp.where(t == nblk - 1, tot * (_BETA / _T), tot)


def _mlp(x2, z2, mv, w1, b1, w2, b2):
    return pl.pallas_call(
        _mlp_body,
        grid=(_T // _TB,),
        in_specs=[
            pl.BlockSpec((_TB, _D), lambda t: (t, 0)),
            pl.BlockSpec((_TB, _D), lambda t: (t, 0)),
            pl.BlockSpec((1, _TB), lambda t: (0, t)),
            pl.BlockSpec((_D, _D), lambda t: (0, 0)),
            pl.BlockSpec((1, _D), lambda t: (0, 0)),
            pl.BlockSpec((_D, _D), lambda t: (0, 0)),
            pl.BlockSpec((1, _D), lambda t: (0, 0)),
        ],
        out_specs=[
            pl.BlockSpec((_TB, _D), lambda t: (t, 0)),
            pl.BlockSpec((1, 1), lambda t: (0, 0)),
        ],
        out_shape=[
            jax.ShapeDtypeStruct((_T, _D), jnp.float32),
            jax.ShapeDtypeStruct((1, 1), jnp.float32),
        ],
    )(x2, z2, mv, w1, b1, w2, b2)


def kernel(x, embedding, W1, b1, W2, b2):
    x2 = x.reshape(_T, _D)
    minidx, minval = _vq_scan(embedding, x2)
    z2 = _sc_gather(embedding, minidx.reshape(_T))
    zout, loss = _mlp(x2, z2, minval, W1, b1.reshape(1, _D),
                      W2, b2.reshape(1, _D))
    return zout.reshape(x.shape), loss[0, 0]

# --- scband reference (transcript-rebuilt; emitter-appended) ---
"""Pipeline reference for scband-residual-vq-45148696216527 (READ-ONLY COPY).

The authoritative reference and input builder live on the scoring server;
editing this copy changes nothing except your own understanding.
"""

import jax, jax.numpy as jnp
import numpy as np

DIM = 256
NUM_VECTORS = 8192
BETA = 0.25


def setup_inputs(seed: int = 0) -> dict:
    key = jax.random.key(seed)
    k_x, k_emb, k_w1, k_b1, k_w2, k_b2 = jax.random.split(key, 6)
    x = jax.random.normal(k_x, (4, 576, DIM), dtype=jnp.float32)
    embedding = jax.random.normal(k_emb, (NUM_VECTORS, DIM), dtype=jnp.float32) * 0.02
    # implicit neural codebook MLP: Linear(dim,dim) -> ReLU -> Linear(dim,dim)
    lim = 1.0 / np.sqrt(DIM)
    W1 = jax.random.uniform(k_w1, (DIM, DIM), dtype=jnp.float32, minval=-lim, maxval=lim)
    b1 = jax.random.uniform(k_b1, (DIM,), dtype=jnp.float32, minval=-lim, maxval=lim)
    W2 = jax.random.uniform(k_w2, (DIM, DIM), dtype=jnp.float32, minval=-lim, maxval=lim)
    b2 = jax.random.uniform(k_b2, (DIM,), dtype=jnp.float32, minval=-lim, maxval=lim)
    return {"x": x, "embedding": embedding, "W1": W1, "b1": b1, "W2": W2, "b2": b2}


def reference(x, embedding, W1, b1, W2, b2):
    d = x.shape[-1]
    x_flat = x.reshape(-1, d)
    # dist[b, n] = ||e_n||^2 - 2 * x_b . e_n + ||x_b||^2
    dist = (
        jnp.sum(embedding ** 2, axis=1)[None, :]
        - 2.0 * jnp.einsum('bd,nd->bn', x_flat, embedding)
        + jnp.sum(x_flat ** 2, axis=1, keepdims=True)
    )
    min_dist = jnp.min(dist, axis=1)
    min_encoding_indices = jnp.argmin(dist, axis=1)
    z = jnp.take(embedding, min_encoding_indices, axis=0).reshape(x.shape)
    # implicit neural codebook: z = z + mlp(x - z)
    r = x - z
    h = jax.nn.relu(jnp.einsum('...d,de->...e', r, W1) + b1)
    z = z + jnp.einsum('...d,de->...e', h, W2) + b2
    loss = BETA * jnp.mean(min_dist)
    return (z, loss)

if __name__ == "__main__":
    import jax
    _d = setup_inputs()
    print(jax.jit(kernel)(*tuple(_d.values())))

</pallas_src>

<mosaic_0001>
#map = affine_map<(d0, d1) -> (0, 0)>
#map1 = affine_map<(d0, d1) -> (0)>
module attributes {stable_mosaic.version = 14 : i64} {
  func.func @k(%arg0: i32, %arg1: i32, %arg2: memref<8192x256xf32, #tpu.memory_space<hbm>>, %arg3: memref<2304xi32, #tpu.memory_space<hbm>>, %arg4: memref<2304x256xf32, #tpu.memory_space<hbm>>, %arg5: memref<72xi32, #tpu.memory_space<vmem>>, %arg6: memref<72x256xf32, #tpu.memory_space<vmem>>, %arg7: memref<!tpu.dma_semaphore, #tpu.memory_space<semaphore_mem>>, %arg8: memref<!tpu.dma_semaphore, #tpu.memory_space<semaphore_mem>>) attributes {dimension_semantics = [#tpu.dimension_semantics<core_parallel>, #tpu.dimension_semantics<subcore_parallel>], iteration_bounds = array<i64: 2, 16>, scalar_prefetch = 0 : i64, scratch_operands = 4 : i64, tpu.core_type = #tpu.core_type<sc_vector_subcore>, window_params = [{transform_indices = #map}, {transform_indices = #map1}, {transform_indices = #map}]} {
    %mul3A = arith.constant 2 : i32
    %mul3A_0 = arith.muli %arg1, %mul3A : i32
    %add3A = arith.addi %mul3A_0, %arg0 : i32
    %mul3A_1 = arith.constant 72 : i32
    %mul3A_2 = arith.muli %add3A, %mul3A_1 : i32
    "tpu.region"() ({
      %run_scoped3A = tpu.sem_alloc : memref<!tpu.dma_semaphore, #tpu.memory_space<semaphore_mem>>
      %dma_start3A_75 = tpu.memref_slice %arg3[%mul3A_2] : memref<2304xi32, #tpu.memory_space<hbm>> -> memref<72xi32, #tpu.memory_space<hbm>>
      %dma_start3A_76 = tpu.memref_slice %arg3[%mul3A_2] : memref<2304xi32, #tpu.memory_space<hbm>> -> memref<72xi32, #tpu.memory_space<hbm>>
      tpu.enqueue_dma source(%dma_start3A_76 : memref<72xi32, #tpu.memory_space<hbm>>) target(%arg5 : memref<72xi32, #tpu.memory_space<vmem>>) target_semaphore(%run_scoped3A : memref<!tpu.dma_semaphore, #tpu.memory_space<semaphore_mem>>)
      %dma_wait3A_77 = tpu.memref_slice %arg3[%mul3A_2] : memref<2304xi32, #tpu.memory_space<hbm>> -> memref<72xi32, #tpu.memory_space<hbm>>
      %dma_wait3A_78 = tpu.memref_slice %arg3[%mul3A_2] : memref<2304xi32, #tpu.memory_space<hbm>> -> memref<72xi32, #tpu.memory_space<hbm>>
      tpu.wait_dma2 semaphore(%run_scoped3A : memref<!tpu.dma_semaphore, #tpu.memory_space<semaphore_mem>>) src(%dma_wait3A_78 : memref<72xi32, #tpu.memory_space<hbm>>) dst(%arg5 : memref<72xi32, #tpu.memory_space<vmem>>)
      tpu.yield
    }) : () -> ()
    %dma_start3A = arith.constant 0 : i32
    %dma_start3A_3 = arith.constant 0 : i32
    %dma_start3A_4 = tpu.memref_slice %arg6[%dma_start3A, %dma_start3A_3] : memref<72x256xf32, #tpu.memory_space<vmem>> -> memref<40x256xf32, #tpu.memory_space<vmem>>
    %dma_start3A_5 = arith.constant 0 : i32
    %dma_start3A_6 = tpu.memref_slice %arg5[%dma_start3A_5] : memref<72xi32, #tpu.memory_space<vmem>> -> memref<40xi32, #tpu.memory_space<vmem>>
    %dma_start3A_7 = arith.constant 0 : i32
    %dma_start3A_8 = arith.constant 0 : i32
    %dma_start3A_9 = tpu.memref_slice %arg2[%dma_start3A_7, %dma_start3A_8] : memref<8192x256xf32, #tpu.memory_space<hbm>> -> memref<8192x256xf32, #tpu.memory_space<hbm>>
    tpu.enqueue_indirect_dma source(%dma_start3A_9 : memref<8192x256xf32, #tpu.memory_space<hbm>>) target(%dma_start3A_4 : memref<40x256xf32, #tpu.memory_space<vmem>>) offsets(%dma_start3A_6 : memref<40xi32, #tpu.memory_space<vmem>>) semaphore(%arg7 : memref<!tpu.dma_semaphore, #tpu.memory_space<semaphore_mem>>)
    %dma_start3A_10 = arith.constant 40 : i32
    %dma_start3A_11 = arith.constant 0 : i32
    %dma_start3A_12 = tpu.memref_slice %arg6[%dma_start3A_10, %dma_start3A_11] : memref<72x256xf32, #tpu.memory_space<vmem>> -> memref<32x256xf32, #tpu.memory_space<vmem>>
    %dma_start3A_13 = arith.constant 40 : i32
    %dma_start3A_14 = tpu.memref_slice %arg5[%dma_start3A_13] : memref<72xi32, #tpu.memory_space<vmem>> -> memref<32xi32, #tpu.memory_space<vmem>>
    %dma_start3A_15 = arith.constant 0 : i32
    %dma_start3A_16 = arith.constant 0 : i32
    %dma_start3A_17 = tpu.memref_slice %arg2[%dma_start3A_15, %dma_start3A_16] : memref<8192x256xf32, #tpu.memory_space<hbm>> -> memref<8192x256xf32, #tpu.memory_space<hbm>>
    tpu.enqueue_indirect_dma source(%dma_start3A_17 : memref<8192x256xf32, #tpu.memory_space<hbm>>) target(%dma_start3A_12 : memref<32x256xf32, #tpu.memory_space<vmem>>) offsets(%dma_start3A_14 : memref<32xi32, #tpu.memory_space<vmem>>) semaphore(%arg7 : memref<!tpu.dma_semaphore, #tpu.memory_space<semaphore_mem>>)
    %dma_wait3A = arith.constant 0 : i32
    %dma_wait3A_18 = arith.constant 0 : i32
    %dma_wait3A_19 = tpu.memref_slice %arg6[%dma_wait3A, %dma_wait3A_18] : memref<72x256xf32, #tpu.memory_space<vmem>> -> memref<40x256xf32, #tpu.memory_space<vmem>>
    %dma_wait3A_20 = arith.constant 0 : i32
    %dma_wait3A_21 = tpu.memref_slice %arg5[%dma_wait3A_20] : memref<72xi32, #tpu.memory_space<vmem>> -> memref<40xi32, #tpu.memory_space<vmem>>
    %dma_wait3A_22 = arith.constant 0 : i32
    %dma_wait3A_23 = arith.constant 0 : i32
    %dma_wait3A_24 = tpu.memref_slice %arg2[%dma_wait3A_22, %dma_wait3A_23] : memref<8192x256xf32, #tpu.memory_space<hbm>> -> memref<8192x256xf32, #tpu.memory_space<hbm>>
    tpu.wait_indirect_dma semaphore(%arg7 : memref<!tpu.dma_semaphore, #tpu.memory_space<semaphore_mem>>) src(%dma_wait3A_24 : memref<8192x256xf32, #tpu.memory_space<hbm>>) dst(%dma_wait3A_19 : memref<40x256xf32, #tpu.memory_space<vmem>>)
    %dma_start3A_25 = arith.constant 0 : i32
    %dma_start3A_26 = arith.constant 0 : i32
    %dma_start3A_27 = tpu.memref_slice %arg6[%dma_start3A_25, %dma_start3A_26] : memref<72x256xf32, #tpu.memory_space<vmem>> -> memref<40x256xf32, #tpu.memory_space<vmem>>
    %dma_start3A_28 = arith.constant 0 : i32
    %dma_start3A_29 = tpu.memref_slice %arg4[%mul3A_2, %dma_start3A_28] : memref<2304x256xf32, #tpu.memory_space<hbm>> -> memref<40x256xf32, #tpu.memory_space<hbm>>
    %dma_start3A_30 = arith.constant 0 : i32
    %dma_start3A_31 = tpu.memref_slice %arg4[%mul3A_2, %dma_start3A_30] : memref<2304x256xf32, #tpu.memory_space<hbm>> -> memref<40x256xf32, #tpu.memory_space<hbm>>
    %dma_start3A_32 = arith.constant 0 : i32
    %dma_start3A_33 = arith.constant 0 : i32
    %dma_start3A_34 = tpu.memref_slice %arg6[%dma_start3A_32, %dma_start3A_33] : memref<72x256xf32, #tpu.memory_space<vmem>> -> memref<40x256xf32, #tpu.memory_space<vmem>>
    tpu.enqueue_dma source(%dma_start3A_34 : memref<40x256xf32, #tpu.memory_space<vmem>>) target(%dma_start3A_31 : memref<40x256xf32, #tpu.memory_space<hbm>>) target_semaphore(%arg8 : memref<!tpu.dma_semaphore, #tpu.memory_space<semaphore_mem>>)
    %dma_wait3A_35 = arith.constant 40 : i32
    %dma_wait3A_36 = arith.constant 0 : i32
    %dma_wait3A_37 = tpu.memref_slice %arg6[%dma_wait3A_35, %dma_wait3A_36] : memref<72x256xf32, #tpu.memory_space<vmem>> -> memref<32x256xf32, #tpu.memory_space<vmem>>
    %dma_wait3A_38 = arith.constant 40 : i32
    %dma_wait3A_39 = tpu.memref_slice %arg5[%dma_wait3A_38] : memref<72xi32, #tpu.memory_space<vmem>> -> memref<32xi32, #tpu.memory_space<vmem>>
    %dma_wait3A_40 = arith.constant 0 : i32
    %dma_wait3A_41 = arith.constant 0 : i32
    %dma_wait3A_42 = tpu.memref_slice %arg2[%dma_wait3A_40, %dma_wait3A_41] : memref<8192x256xf32, #tpu.memory_space<hbm>> -> memref<8192x256xf32, #tpu.memory_space<hbm>>
    tpu.wait_indirect_dma semaphore(%arg7 : memref<!tpu.dma_semaphore, #tpu.memory_space<semaphore_mem>>) src(%dma_wait3A_42 : memref<8192x256xf32, #tpu.memory_space<hbm>>) dst(%dma_wait3A_37 : memref<32x256xf32, #tpu.memory_space<vmem>>)
    %add3A_43 = arith.constant 40 : i32
    %add3A_44 = arith.addi %mul3A_2, %add3A_43 : i32
    %dma_start3A_45 = arith.constant 40 : i32
    %dma_start3A_46 = arith.constant 0 : i32
    %dma_start3A_47 = tpu.memref_slice %arg6[%dma_start3A_45, %dma_start3A_46] : memref<72x256xf32, #tpu.memory_space<vmem>> -> memref<32x256xf32, #tpu.memory_space<vmem>>
    %dma_start3A_48 = arith.constant 0 : i32
    %dma_start3A_49 = tpu.memref_slice %arg4[%add3A_44, %dma_start3A_48] : memref<2304x256xf32, #tpu.memory_space<hbm>> -> memref<32x256xf32, #tpu.memory_space<hbm>>
    %dma_start3A_50 = arith.constant 0 : i32
    %dma_start3A_51 = tpu.memref_slice %arg4[%add3A_44, %dma_start3A_50] : memref<2304x256xf32, #tpu.memory_space<hbm>> -> memref<32x256xf32, #tpu.memory_space<hbm>>
    %dma_start3A_52 = arith.constant 40 : i32
    %dma_start3A_53 = arith.constant 0 : i32
    %dma_start3A_54 = tpu.memref_slice %arg6[%dma_start3A_52, %dma_start3A_53] : memref<72x256xf32, #tpu.memory_space<vmem>> -> memref<32x256xf32, #tpu.memory_space<vmem>>
    tpu.enqueue_dma source(%dma_start3A_54 : memref<32x256xf32, #tpu.memory_space<vmem>>) target(%dma_start3A_51 : memref<32x256xf32, #tpu.memory_space<hbm>>) target_semaphore(%arg8 : memref<!tpu.dma_semaphore, #tpu.memory_space<semaphore_mem>>)
    %dma_wait3A_55 = arith.constant 0 : i32
    %dma_wait3A_56 = arith.constant 0 : i32
    %dma_wait3A_57 = tpu.memref_slice %arg6[%dma_wait3A_55, %dma_wait3A_56] : memref<72x256xf32, #tpu.memory_space<vmem>> -> memref<40x256xf32, #tpu.memory_space<vmem>>
    %dma_wait3A_58 = arith.constant 0 : i32
    %dma_wait3A_59 = tpu.memref_slice %arg4[%mul3A_2, %dma_wait3A_58] : memref<2304x256xf32, #tpu.memory_space<hbm>> -> memref<40x256xf32, #tpu.memory_space<hbm>>
    %dma_wait3A_60 = arith.constant 0 : i32
    %dma_wait3A_61 = tpu.memref_slice %arg4[%mul3A_2, %dma_wait3A_60] : memref<2304x256xf32, #tpu.memory_space<hbm>> -> memref<40x256xf32, #tpu.memory_space<hbm>>
    %dma_wait3A_62 = arith.constant 0 : i32
    %dma_wait3A_63 = arith.constant 0 : i32
    %dma_wait3A_64 = tpu.memref_slice %arg6[%dma_wait3A_62, %dma_wait3A_63] : memref<72x256xf32, #tpu.memory_space<vmem>> -> memref<40x256xf32, #tpu.memory_space<vmem>>
    tpu.wait_dma2 semaphore(%arg8 : memref<!tpu.dma_semaphore, #tpu.memory_space<semaphore_mem>>) src(%dma_wait3A_64 : memref<40x256xf32, #tpu.memory_space<vmem>>) dst(%dma_wait3A_61 : memref<40x256xf32, #tpu.memory_space<hbm>>)
    %dma_wait3A_65 = arith.constant 40 : i32
    %dma_wait3A_66 = arith.constant 0 : i32
    %dma_wait3A_67 = tpu.memref_slice %arg6[%dma_wait3A_65, %dma_wait3A_66] : memref<72x256xf32, #tpu.memory_space<vmem>> -> memref<32x256xf32, #tpu.memory_space<vmem>>
    %dma_wait3A_68 = arith.constant 0 : i32
    %dma_wait3A_69 = tpu.memref_slice %arg4[%add3A_44, %dma_wait3A_68] : memref<2304x256xf32, #tpu.memory_space<hbm>> -> memref<32x256xf32, #tpu.memory_space<hbm>>
    %dma_wait3A_70 = arith.constant 0 : i32
    %dma_wait3A_71 = tpu.memref_slice %arg4[%add3A_44, %dma_wait3A_70] : memref<2304x256xf32, #tpu.memory_space<hbm>> -> memref<32x256xf32, #tpu.memory_space<hbm>>
    %dma_wait3A_72 = arith.constant 40 : i32
    %dma_wait3A_73 = arith.constant 0 : i32
    %dma_wait3A_74 = tpu.memref_slice %arg6[%dma_wait3A_72, %dma_wait3A_73] : memref<72x256xf32, #tpu.memory_space<vmem>> -> memref<32x256xf32, #tpu.memory_space<vmem>>
    tpu.wait_dma2 semaphore(%arg8 : memref<!tpu.dma_semaphore, #tpu.memory_space<semaphore_mem>>) src(%dma_wait3A_74 : memref<32x256xf32, #tpu.memory_space<vmem>>) dst(%dma_wait3A_71 : memref<32x256xf32, #tpu.memory_space<hbm>>)
    return
  }
}

module attributes {stable_mosaic.version = 14 : i64} {
  func.func @_scan_body(%arg0: i32, %arg1: i32, %arg2: memref<512x256xf32, #tpu.memory_space<vmem>>, %arg3: memref<2304x256xf32, #tpu.memory_space<vmem>>, %arg4: memref<1x2304xi32, #tpu.memory_space<vmem>>, %arg5: memref<1x2304xf32, #tpu.memory_space<vmem>>, %arg6: memref<256x2304xf32, #tpu.memory_space<vmem>>, %arg7: memref<8x2304xf32, #tpu.memory_space<vmem>>, %arg8: memref<8x2304xi32, #tpu.memory_space<vmem>>) attributes {dimension_semantics = [#tpu.dimension_semantics<arbitrary>, #tpu.dimension_semantics<arbitrary>], iteration_bounds = array<i64: 1, 16>, scalar_prefetch = 0 : i64, scratch_operands = 3 : i64, tpu.core_type = #tpu.core_type<tc>, window_params = [{transform_indices = @transform_0, window_bounds = array<i64: 512, 256>}, {transform_indices = @transform_1, window_bounds = array<i64: 2304, 256>}, {transform_indices = @transform_2, window_bounds = array<i64: 1, 2304>}, {transform_indices = @transform_3, window_bounds = array<i64: 1, 2304>}]} {
    %eq3A = arith.constant 0 : i32
    %eq3A_0 = arith.cmpi eq, %arg1, %eq3A : i32
    %convert_element_type3A = arith.extui %eq3A_0 : i1 to i32
    %cond3A = arith.constant 0 : i32
    %cond3A_1 = arith.cmpi ne, %convert_element_type3A, %cond3A : i32
    scf.if %cond3A_1 {
      %get3A_152 = arith.constant 0 : index
      %get3A_153 = arith.constant 0 : index
      %get3A_154 = vector.load %arg3[%get3A_152, %get3A_153] : memref<2304x256xf32, #tpu.memory_space<vmem>>, vector<2304x256xf32>
      %transpose3A = tpu.transpose %get3A_154, [1, 0] : vector<2304x256xf32> -> vector<256x2304xf32>
      %mul3A_155 = arith.constant -2.000000e+00 : f32
      %mul3A_156 = vector.broadcast %mul3A_155 : f32 to vector<256x2304xf32>
      %mul3A_157 = arith.mulf %transpose3A, %mul3A_156 : vector<256x2304xf32>
      %swap3A = arith.constant 0 : index
      %swap3A_158 = arith.constant 0 : index
      %swap3A_159 = vector.load %arg6[%swap3A, %swap3A_158] : memref<256x2304xf32, #tpu.memory_space<vmem>>, vector<256x2304xf32>
      tpu.vector_store %arg6[%swap3A, %swap3A_158], %mul3A_157 {strides = array<i32>} : memref<256x2304xf32, #tpu.memory_space<vmem>>, vector<256x2304xf32>,
    } else {
    }
    %get3A = arith.constant 0 : index
    %get3A_2 = arith.constant 0 : index
    %get3A_3 = vector.load %arg6[%get3A, %get3A_2] : memref<256x2304xf32, #tpu.memory_space<vmem>>, vector<256x2304xf32>
    %get3A_4 = arith.constant 0 : index
    %get3A_5 = arith.constant 0 : index
    %get3A_6 = vector.load %arg2[%get3A_4, %get3A_5] : memref<512x256xf32, #tpu.memory_space<vmem>>, vector<128x256xf32>
    %dot_general3A = arith.constant dense<0.000000e+00> : vector<128x2304xf32>
    %dot_general3A_7 = tpu.matmul %get3A_6, %get3A_3, %dot_general3A {dimension_numbers = #tpu.dot_dimension_numbers<[1], [0], [0], [1], [0, 0, 1, 1], [], []>, transpose_lhs_hint = false} : vector<128x256xf32>, vector<256x2304xf32>, vector<128x2304xf32> -> vector<128x2304xf32>
    %mul3A = arith.mulf %get3A_6, %get3A_6 : vector<128x256xf32>
    %reduce_sum3A = arith.constant dense<0.000000e+00> : vector<128xf32>
    %reduce_sum3A_8 = vector.multi_reduction <add>, %mul3A, %reduce_sum3A [1] : vector<128x256xf32> to vector<128xf32>
    %broadcast_in_dim3A = vector.shape_cast %reduce_sum3A_8 : vector<128xf32> to vector<128x1xf32>
    %add3A = vector.broadcast %broadcast_in_dim3A : vector<128x1xf32> to vector<128x2304xf32>
    %add3A_9 = arith.addf %dot_general3A_7, %add3A : vector<128x2304xf32>
    %reshape3A = vector.shape_cast %add3A_9 : vector<128x2304xf32> to vector<16x8x2304xf32>
    %mul3A_10 = arith.constant 512 : i32
    %mul3A_11 = arith.muli %arg1, %mul3A_10 : i32
    %add3A_12 = arith.constant 0 : i32
    %add3A_13 = arith.addi %mul3A_11, %add3A_12 : i32
    %iota3A = tpu.iota {dimensions = array<i32: 0>} : vector<16x8x2304xi32>
    %mul3A_14 = arith.constant 8 : i32
    %mul3A_15 = vector.broadcast %mul3A_14 : i32 to vector<16x8x2304xi32>
    %mul3A_16 = arith.muli %iota3A, %mul3A_15 : vector<16x8x2304xi32>
    %add3A_17 = vector.broadcast %add3A_13 : i32 to vector<16x8x2304xi32>
    %add3A_18 = arith.addi %add3A_17, %mul3A_16 : vector<16x8x2304xi32>
    %iota3A_19 = tpu.iota {dimensions = array<i32: 1>} : vector<16x8x2304xi32>
    %add3A_20 = arith.addi %add3A_18, %iota3A_19 : vector<16x8x2304xi32>
    %reduce_min3A = arith.constant dense<0x7F800000> : vector<8x2304xf32>
    %reduce_min3A_21 = vector.multi_reduction <minimumf>, %reshape3A, %reduce_min3A [0] : vector<16x8x2304xf32> to vector<8x2304xf32>
    %broadcast_in_dim3A_22 = vector.shape_cast %reduce_min3A_21 : vector<8x2304xf32> to vector<1x8x2304xf32>
    %eq3A_23 = vector.broadcast %broadcast_in_dim3A_22 : vector<1x8x2304xf32> to vector<16x8x2304xf32>
    %eq3A_24 = arith.cmpf oeq, %reshape3A, %eq3A_23 : vector<16x8x2304xf32>
    %jit3A = arith.constant 1073741824 : i32
    %broadcast_in_dim3A_25 = vector.broadcast %jit3A : i32 to vector<16x8x2304xi32>
    %select_n3A = arith.select %eq3A_24, %add3A_20, %broadcast_in_dim3A_25 : vector<16x8x2304xi1>, vector<16x8x2304xi32>
    %reduce_min3A_26 = arith.constant dense<2147483647> : vector<8x2304xi32>
    %reduce_min3A_27 = vector.multi_reduction <minsi>, %select_n3A, %reduce_min3A_26 [0] : vector<16x8x2304xi32> to vector<8x2304xi32>
    %get3A_28 = arith.constant 128 : index
    %get3A_29 = arith.constant 0 : index
    %get3A_30 = vector.load %arg2[%get3A_28, %get3A_29] : memref<512x256xf32, #tpu.memory_space<vmem>>, vector<128x256xf32>
    %dot_general3A_31 = arith.constant dense<0.000000e+00> : vector<128x2304xf32>
    %dot_general3A_32 = tpu.matmul %get3A_30, %get3A_3, %dot_general3A_31 {dimension_numbers = #tpu.dot_dimension_numbers<[1], [0], [0], [1], [0, 0, 1, 1], [], []>, transpose_lhs_hint = false} : vector<128x256xf32>, vector<256x2304xf32>, vector<128x2304xf32> -> vector<128x2304xf32>
    %mul3A_33 = arith.mulf %get3A_30, %get3A_30 : vector<128x256xf32>
    %reduce_sum3A_34 = arith.constant dense<0.000000e+00> : vector<128xf32>
    %reduce_sum3A_35 = vector.multi_reduction <add>, %mul3A_33, %reduce_sum3A_34 [1] : vector<128x256xf32> to vector<128xf32>
    %broadcast_in_dim3A_36 = vector.shape_cast %reduce_sum3A_35 : vector<128xf32> to vector<128x1xf32>
    %add3A_37 = vector.broadcast %broadcast_in_dim3A_36 : vector<128x1xf32> to vector<128x2304xf32>
    %add3A_38 = arith.addf %dot_general3A_32, %add3A_37 : vector<128x2304xf32>
    %reshape3A_39 = vector.shape_cast %add3A_38 : vector<128x2304xf32> to vector<16x8x2304xf32>
    %mul3A_40 = arith.constant 512 : i32
    %mul3A_41 = arith.muli %arg1, %mul3A_40 : i32
    %add3A_42 = arith.constant 128 : i32
    %add3A_43 = arith.addi %mul3A_41, %add3A_42 : i32
    %iota3A_44 = tpu.iota {dimensions = array<i32: 0>} : vector<16x8x2304xi32>
    %mul3A_45 = arith.constant 8 : i32
    %mul3A_46 = vector.broadcast %mul3A_45 : i32 to vector<16x8x2304xi32>
    %mul3A_47 = arith.muli %iota3A_44, %mul3A_46 : vector<16x8x2304xi32>
    %add3A_48 = vector.broadcast %add3A_43 : i32 to vector<16x8x2304xi32>
    %add3A_49 = arith.addi %add3A_48, %mul3A_47 : vector<16x8x2304xi32>
    %iota3A_50 = tpu.iota {dimensions = array<i32: 1>} : vector<16x8x2304xi32>
    %add3A_51 = arith.addi %add3A_49, %iota3A_50 : vector<16x8x2304xi32>
    %reduce_min3A_52 = arith.constant dense<0x7F800000> : vector<8x2304xf32>
    %reduce_min3A_53 = vector.multi_reduction <minimumf>, %reshape3A_39, %reduce_min3A_52 [0] : vector<16x8x2304xf32> to vector<8x2304xf32>
    %broadcast_in_dim3A_54 = vector.shape_cast %reduce_min3A_53 : vector<8x2304xf32> to vector<1x8x2304xf32>
    %eq3A_55 = vector.broadcast %broadcast_in_dim3A_54 : vector<1x8x2304xf32> to vector<16x8x2304xf32>
    %eq3A_56 = arith.cmpf oeq, %reshape3A_39, %eq3A_55 : vector<16x8x2304xf32>
    %jit3A_57 = arith.constant 1073741824 : i32
    %broadcast_in_dim3A_58 = vector.broadcast %jit3A_57 : i32 to vector<16x8x2304xi32>
    %select_n3A_59 = arith.select %eq3A_56, %add3A_51, %broadcast_in_dim3A_58 : vector<16x8x2304xi1>, vector<16x8x2304xi32>
    %reduce_min3A_60 = arith.constant dense<2147483647> : vector<8x2304xi32>
    %reduce_min3A_61 = vector.multi_reduction <minsi>, %select_n3A_59, %reduce_min3A_60 [0] : vector<16x8x2304xi32> to vector<8x2304xi32>
    %lt3A = arith.cmpf olt, %reduce_min3A_53, %reduce_min3A_21 : vector<8x2304xf32>
    %select_n3A_62 = arith.select %lt3A, %reduce_min3A_53, %reduce_min3A_21 : vector<8x2304xi1>, vector<8x2304xf32>
    %select_n3A_63 = arith.select %lt3A, %reduce_min3A_61, %reduce_min3A_27 : vector<8x2304xi1>, vector<8x2304xi32>
    %get3A_64 = arith.constant 256 : index
    %get3A_65 = arith.constant 0 : index
    %get3A_66 = vector.load %arg2[%get3A_64, %get3A_65] : memref<512x256xf32, #tpu.memory_space<vmem>>, vector<128x256xf32>
    %dot_general3A_67 = arith.constant dense<0.000000e+00> : vector<128x2304xf32>
    %dot_general3A_68 = tpu.matmul %get3A_66, %get3A_3, %dot_general3A_67 {dimension_numbers = #tpu.dot_dimension_numbers<[1], [0], [0], [1], [0, 0, 1, 1], [], []>, transpose_lhs_hint = false} : vector<128x256xf32>, vector<256x2304xf32>, vector<128x2304xf32> -> vector<128x2304xf32>
    %mul3A_69 = arith.mulf %get3A_66, %get3A_66 : vector<128x256xf32>
    %reduce_sum3A_70 = arith.constant dense<0.000000e+00> : vector<128xf32>
    %reduce_sum3A_71 = vector.multi_reduction <add>, %mul3A_69, %reduce_sum3A_70 [1] : vector<128x256xf32> to vector<128xf32>
    %broadcast_in_dim3A_72 = vector.shape_cast %reduce_sum3A_71 : vector<128xf32> to vector<128x1xf32>
    %add3A_73 = vector.broadcast %broadcast_in_dim3A_72 : vector<128x1xf32> to vector<128x2304xf32>
    %add3A_74 = arith.addf %dot_general3A_68, %add3A_73 : vector<128x2304xf32>
    %reshape3A_75 = vector.shape_cast %add3A_74 : vector<128x2304xf32> to vector<16x8x2304xf32>
    %mul3A_76 = arith.constant 512 : i32
    %mul3A_77 = arith.muli %arg1, %mul3A_76 : i32
    %add3A_78 = arith.constant 256 : i32
    %add3A_79 = arith.addi %mul3A_77, %add3A_78 : i32
    %iota3A_80 = tpu.iota {dimensions = array<i32: 0>} : vector<16x8x2304xi32>
    %mul3A_81 = arith.constant 8 : i32
    %mul3A_82 = vector.broadcast %mul3A_81 : i32 to vector<16x8x2304xi32>
    %mul3A_83 = arith.muli %iota3A_80, %mul3A_82 : vector<16x8x2304xi32>
    %add3A_84 = vector.broadcast %add3A_79 : i32 to vector<16x8x2304xi32>
    %add3A_85 = arith.addi %add3A_84, %mul3A_83 : vector<16x8x2304xi32>
    %iota3A_86 = tpu.iota {dimensions = array<i32: 1>} : vector<16x8x2304xi32>
    %add3A_87 = arith.addi %add3A_85, %iota3A_86 : vector<16x8x2304xi32>
    %reduce_min3A_88 = arith.constant dense<0x7F800000> : vector<8x2304xf32>
    %reduce_min3A_89 = vector.multi_reduction <minimumf>, %reshape3A_75, %reduce_min3A_88 [0] : vector<16x8x2304xf32> to vector<8x2304xf32>
    %broadcast_in_dim3A_90 = vector.shape_cast %reduce_min3A_89 : vector<8x2304xf32> to vector<1x8x2304xf32>
    %eq3A_91 = vector.broadcast %broadcast_in_dim3A_90 : vector<1x8x2304xf32> to vector<16x8x2304xf32>
    %eq3A_92 = arith.cmpf oeq, %reshape3A_75, %eq3A_91 : vector<16x8x2304xf32>
    %jit3A_93 = arith.constant 1073741824 : i32
    %broadcast_in_dim3A_94 = vector.broadcast %jit3A_93 : i32 to vector<16x8x2304xi32>
    %select_n3A_95 = arith.select %eq3A_92, %add3A_87, %broadcast_in_dim3A_94 : vector<16x8x2304xi1>, vector<16x8x2304xi32>
    %reduce_min3A_96 = arith.constant dense<2147483647> : vector<8x2304xi32>
    %reduce_min3A_97 = vector.multi_reduction <minsi>, %select_n3A_95, %reduce_min3A_96 [0] : vector<16x8x2304xi32> to vector<8x2304xi32>
    %lt3A_98 = arith.cmpf olt, %reduce_min3A_89, %select_n3A_62 : vector<8x2304xf32>
    %select_n3A_99 = arith.select %lt3A_98, %reduce_min3A_89, %select_n3A_62 : vector<8x2304xi1>, vector<8x2304xf32>
    %select_n3A_100 = arith.select %lt3A_98, %reduce_min3A_97, %select_n3A_63 : vector<8x2304xi1>, vector<8x2304xi32>
    %get3A_101 = arith.constant 384 : index
    %get3A_102 = arith.constant 0 : index
    %get3A_103 = vector.load %arg2[%get3A_101, %get3A_102] : memref<512x256xf32, #tpu.memory_space<vmem>>, vector<128x256xf32>
    %dot_general3A_104 = arith.constant dense<0.000000e+00> : vector<128x2304xf32>
    %dot_general3A_105 = tpu.matmul %get3A_103, %get3A_3, %dot_general3A_104 {dimension_numbers = #tpu.dot_dimension_numbers<[1], [0], [0], [1], [0, 0, 1, 1], [], []>, transpose_lhs_hint = false} : vector<128x256xf32>, vector<256x2304xf32>, vector<128x2304xf32> -> vector<128x2304xf32>
    %mul3A_106 = arith.mulf %get3A_103, %get3A_103 : vector<128x256xf32>
    %reduce_sum3A_107 = arith.constant dense<0.000000e+00> : vector<128xf32>
    %reduce_sum3A_108 = vector.multi_reduction <add>, %mul3A_106, %reduce_sum3A_107 [1] : vector<128x256xf32> to vector<128xf32>
    %broadcast_in_dim3A_109 = vector.shape_cast %reduce_sum3A_108 : vector<128xf32> to vector<128x1xf32>
    %add3A_110 = vector.broadcast %broadcast_in_dim3A_109 : vector<128x1xf32> to vector<128x2304xf32>
    %add3A_111 = arith.addf %dot_general3A_105, %add3A_110 : vector<128x2304xf32>
    %reshape3A_112 = vector.shape_cast %add3A_111 : vector<128x2304xf32> to vector<16x8x2304xf32>
    %mul3A_113 = arith.constant 512 : i32
    %mul3A_114 = arith.muli %arg1, %mul3A_113 : i32
    %add3A_115 = arith.constant 384 : i32
    %add3A_116 = arith.addi %mul3A_114, %add3A_115 : i32
    %iota3A_117 = tpu.iota {dimensions = array<i32: 0>} : vector<16x8x2304xi32>
    %mul3A_118 = arith.constant 8 : i32
    %mul3A_119 = vector.broadcast %mul3A_118 : i32 to vector<16x8x2304xi32>
    %mul3A_120 = arith.muli %iota3A_117, %mul3A_119 : vector<16x8x2304xi32>
    %add3A_121 = vector.broadcast %add3A_116 : i32 to vector<16x8x2304xi32>
    %add3A_122 = arith.addi %add3A_121, %mul3A_120 : vector<16x8x2304xi32>
    %iota3A_123 = tpu.iota {dimensions = array<i32: 1>} : vector<16x8x2304xi32>
    %add3A_124 = arith.addi %add3A_122, %iota3A_123 : vector<16x8x2304xi32>
    %reduce_min3A_125 = arith.constant dense<0x7F800000> : vector<8x2304xf32>
    %reduce_min3A_126 = vector.multi_reduction <minimumf>, %reshape3A_112, %reduce_min3A_125 [0] : vector<16x8x2304xf32> to vector<8x2304xf32>
    %broadcast_in_dim3A_127 = vector.shape_cast %reduce_min3A_126 : vector<8x2304xf32> to vector<1x8x2304xf32>
    %eq3A_128 = vector.broadcast %broadcast_in_dim3A_127 : vector<1x8x2304xf32> to vector<16x8x2304xf32>
    %eq3A_129 = arith.cmpf oeq, %reshape3A_112, %eq3A_128 : vector<16x8x2304xf32>
    %jit3A_130 = arith.constant 1073741824 : i32
    %broadcast_in_dim3A_131 = vector.broadcast %jit3A_130 : i32 to vector<16x8x2304xi32>
    %select_n3A_132 = arith.select %eq3A_129, %add3A_124, %broadcast_in_dim3A_131 : vector<16x8x2304xi1>, vector<16x8x2304xi32>
    %reduce_min3A_133 = arith.constant dense<2147483647> : vector<8x2304xi32>
    %reduce_min3A_134 = vector.multi_reduction <minsi>, %select_n3A_132, %reduce_min3A_133 [0] : vector<16x8x2304xi32> to vector<8x2304xi32>
    %lt3A_135 = arith.cmpf olt, %reduce_min3A_126, %select_n3A_99 : vector<8x2304xf32>
    %select_n3A_136 = arith.select %lt3A_135, %reduce_min3A_126, %select_n3A_99 : vector<8x2304xi1>, vector<8x2304xf32>
    %select_n3A_137 = arith.select %lt3A_135, %reduce_min3A_134, %select_n3A_100 : vector<8x2304xi1>, vector<8x2304xi32>
    %eq3A_138 = arith.constant 0 : i32
    %eq3A_139 = arith.cmpi eq, %arg1, %eq3A_138 : i32
    %convert_element_type3A_140 = arith.extui %eq3A_139 : i1 to i32
    %cond3A_141 = arith.constant 0 : i32
    %cond3A_142 = arith.cmpi ne, %convert_element_type3A_140, %cond3A_141 : i32
    scf.if %cond3A_142 {
      %swap3A = arith.constant 0 : index
      %swap3A_152 = arith.constant 0 : index
      %swap3A_153 = vector.load %arg7[%swap3A, %swap3A_152] : memref<8x2304xf32, #tpu.memory_space<vmem>>, vector<8x2304xf32>
      tpu.vector_store %arg7[%swap3A, %swap3A_152], %select_n3A_136 {strides = array<i32>} : memref<8x2304xf32, #tpu.memory_space<vmem>>, vector<8x2304xf32>,
      %swap3A_154 = arith.constant 0 : index
      %swap3A_155 = arith.constant 0 : index
      %swap3A_156 = vector.load %arg8[%swap3A_154, %swap3A_155] : memref<8x2304xi32, #tpu.memory_space<vmem>>, vector<8x2304xi32>
      tpu.vector_store %arg8[%swap3A_154, %swap3A_155], %select_n3A_137 {strides = array<i32>} : memref<8x2304xi32, #tpu.memory_space<vmem>>, vector<8x2304xi32>,
    } else {
    }
    %gt3A = arith.constant 0 : i32
    %gt3A_143 = arith.cmpi sgt, %arg1, %gt3A : i32
    %convert_element_type3A_144 = arith.extui %gt3A_143 : i1 to i32
    %cond3A_145 = arith.constant 0 : i32
    %cond3A_146 = arith.cmpi ne, %convert_element_type3A_144, %cond3A_145 : i32
    scf.if %cond3A_146 {
      %get3A_152 = arith.constant 0 : index
      %get3A_153 = arith.constant 0 : index
      %get3A_154 = vector.load %arg7[%get3A_152, %get3A_153] : memref<8x2304xf32, #tpu.memory_space<vmem>>, vector<8x2304xf32>
      %get3A_155 = arith.constant 0 : index
      %get3A_156 = arith.constant 0 : index
      %get3A_157 = vector.load %arg8[%get3A_155, %get3A_156] : memref<8x2304xi32, #tpu.memory_space<vmem>>, vector<8x2304xi32>
      %lt3A_158 = arith.cmpf olt, %select_n3A_136, %get3A_154 : vector<8x2304xf32>
      %select_n3A_159 = arith.select %lt3A_158, %select_n3A_136, %get3A_154 : vector<8x2304xi1>, vector<8x2304xf32>
      %swap3A = arith.constant 0 : index
      %swap3A_160 = arith.constant 0 : index
      %swap3A_161 = vector.load %arg7[%swap3A, %swap3A_160] : memref<8x2304xf32, #tpu.memory_space<vmem>>, vector<8x2304xf32>
      tpu.vector_store %arg7[%swap3A, %swap3A_160], %select_n3A_159 {strides = array<i32>} : memref<8x2304xf32, #tpu.memory_space<vmem>>, vector<8x2304xf32>,
      %select_n3A_162 = arith.select %lt3A_158, %select_n3A_137, %get3A_157 : vector<8x2304xi1>, vector<8x2304xi32>
      %swap3A_163 = arith.constant 0 : index
      %swap3A_164 = arith.constant 0 : index
      %swap3A_165 = vector.load %arg8[%swap3A_163, %swap3A_164] : memref<8x2304xi32, #tpu.memory_space<vmem>>, vector<8x2304xi32>
      tpu.vector_store %arg8[%swap3A_163, %swap3A_164], %select_n3A_162 {strides = array<i32>} : memref<8x2304xi32, #tpu.memory_space<vmem>>, vector<8x2304xi32>,
    } else {
    }
    %eq3A_147 = arith.constant 15 : i32
    %eq3A_148 = arith.cmpi eq, %arg1, %eq3A_147 : i32
    %convert_element_type3A_149 = arith.extui %eq3A_148 : i1 to i32
    %cond3A_150 = arith.constant 0 : i32
    %cond3A_151 = arith.cmpi ne, %convert_element_type3A_149, %cond3A_150 : i32
    scf.if %cond3A_151 {
      %get3A_152 = arith.constant 0 : index
      %get3A_153 = arith.constant 0 : index
      %get3A_154 = vector.load %arg7[%get3A_152, %get3A_153] : memref<8x2304xf32, #tpu.memory_space<vmem>>, vector<8x2304xf32>
      %get3A_155 = arith.constant 0 : index
      %get3A_156 = arith.constant 0 : index
      %get3A_157 = vector.load %arg8[%get3A_155, %get3A_156] : memref<8x2304xi32, #tpu.memory_space<vmem>>, vector<8x2304xi32>
      %reduce_min3A_158 = arith.constant dense<0x7F800000> : vector<2304xf32>
      %reduce_min3A_159 = vector.multi_reduction <minimumf>, %get3A_154, %reduce_min3A_158 [0] : vector<8x2304xf32> to vector<2304xf32>
      %broadcast_in_dim3A_160 = vector.shape_cast %reduce_min3A_159 : vector<2304xf32> to vector<1x2304xf32>
      %swap3A = arith.constant 0 : index
      %swap3A_161 = arith.constant 0 : index
      %swap3A_162 = vector.load %arg5[%swap3A, %swap3A_161] : memref<1x2304xf32, #tpu.memory_space<vmem>>, vector<1x2304xf32>
      tpu.vector_store %arg5[%swap3A, %swap3A_161], %broadcast_in_dim3A_160 {strides = array<i32>} : memref<1x2304xf32, #tpu.memory_space<vmem>>, vector<1x2304xf32>,
      %eq3A_163 = vector.broadcast %broadcast_in_dim3A_160 : vector<1x2304xf32> to vector<8x2304xf32>
      %eq3A_164 = arith.cmpf oeq, %get3A_154, %eq3A_163 : vector<8x2304xf32>
      %jit3A_165 = arith.constant 1073741824 : i32
      %broadcast_in_dim3A_166 = vector.broadcast %jit3A_165 : i32 to vector<8x2304xi32>
      %select_n3A_167 = arith.select %eq3A_164, %get3A_157, %broadcast_in_dim3A_166 : vector<8x2304xi1>, vector<8x2304xi32>
      %reduce_min3A_168 = arith.constant dense<2147483647> : vector<2304xi32>
      %reduce_min3A_169 = vector.multi_reduction <minsi>, %select_n3A_167, %reduce_min3A_168 [0] : vector<8x2304xi32> to vector<2304xi32>
      %broadcast_in_dim3A_170 = vector.shape_cast %reduce_min3A_169 : vector<2304xi32> to vector<1x2304xi32>
      %swap3A_171 = arith.constant 0 : index
      %swap3A_172 = arith.constant 0 : index
      %swap3A_173 = vector.load %arg4[%swap3A_171, %swap3A_172] : memref<1x2304xi32, #tpu.memory_space<vmem>>, vector<1x2304xi32>
      tpu.vector_store %arg4[%swap3A_171, %swap3A_172], %broadcast_in_dim3A_170 {strides = array<i32>} : memref<1x2304xi32, #tpu.memory_space<vmem>>, vector<1x2304xi32>,
    } else {
    }
    return
  }
  func.func @transform_0(%arg0: i32, %arg1: i32) -> (i32, i32) {
    %c0_i32 = arith.constant 0 : i32
    %c0_i32_0 = arith.constant 0 : i32
    return %arg1, %c0_i32 : i32, i32
  }
  func.func @transform_1(%arg0: i32, %arg1: i32) -> (i32, i32) {
    %c0_i32 = arith.constant 0 : i32
    %c0_i32_0 = arith.constant 0 : i32
    return %arg0, %c0_i32 : i32, i32
  }
  func.func @transform_2(%arg0: i32, %arg1: i32) -> (i32, i32) {
    %c0_i32 = arith.constant 0 : i32
    %c0_i32_0 = arith.constant 0 : i32
    return %c0_i32, %arg0 : i32, i32
  }
  func.func @transform_3(%arg0: i32, %arg1: i32) -> (i32, i32) {
    %c0_i32 = arith.constant 0 : i32
    %c0_i32_0 = arith.constant 0 : i32
    return %c0_i32, %arg0 : i32, i32
  }
}

module attributes {stable_mosaic.version = 14 : i64} {
  func.func @_mlp_body(%arg0: i32, %arg1: memref<2304x256xf32, #tpu.memory_space<vmem>>, %arg2: memref<2304x256xf32, #tpu.memory_space<vmem>>, %arg3: memref<1x2304xf32, #tpu.memory_space<vmem>>, %arg4: memref<256x256xf32, #tpu.memory_space<vmem>>, %arg5: memref<1x256xf32, #tpu.memory_space<vmem>>, %arg6: memref<256x256xf32, #tpu.memory_space<vmem>>, %arg7: memref<1x256xf32, #tpu.memory_space<vmem>>, %arg8: memref<2304x256xf32, #tpu.memory_space<vmem>>, %arg9: memref<1x1xf32, #tpu.memory_space<vmem>>) attributes {dimension_semantics = [#tpu.dimension_semantics<arbitrary>], iteration_bounds = array<i64: 1>, scalar_prefetch = 0 : i64, scratch_operands = 0 : i64, tpu.core_type = #tpu.core_type<tc>, window_params = [{transform_indices = @transform_0, window_bounds = array<i64: 2304, 256>}, {transform_indices = @transform_1, window_bounds = array<i64: 2304, 256>}, {transform_indices = @transform_2, window_bounds = array<i64: 1, 2304>}, {pipeline_mode = #tpu.pipeline_mode<synchronous>, transform_indices = @transform_3, window_bounds = array<i64: 256, 256>}, {pipeline_mode = #tpu.pipeline_mode<synchronous>, transform_indices = @transform_4, window_bounds = array<i64: 1, 256>}, {pipeline_mode = #tpu.pipeline_mode<synchronous>, transform_indices = @transform_5, window_bounds = array<i64: 256, 256>}, {pipeline_mode = #tpu.pipeline_mode<synchronous>, transform_indices = @transform_6, window_bounds = array<i64: 1, 256>}, {transform_indices = @transform_7, window_bounds = array<i64: 2304, 256>}, {pipeline_mode = #tpu.pipeline_mode<synchronous>, transform_indices = @transform_8, window_bounds = array<i64: 1, 1>}]} {
    %get3A = arith.constant 0 : index
    %get3A_0 = arith.constant 0 : index
    %get3A_1 = vector.load %arg1[%get3A, %get3A_0] : memref<2304x256xf32, #tpu.memory_space<vmem>>, vector<2304x256xf32>
    %get3A_2 = arith.constant 0 : index
    %get3A_3 = arith.constant 0 : index
    %get3A_4 = vector.load %arg2[%get3A_2, %get3A_3] : memref<2304x256xf32, #tpu.memory_space<vmem>>, vector<2304x256xf32>
    %sub3A = arith.subf %get3A_1, %get3A_4 : vector<2304x256xf32>
    %get3A_5 = arith.constant 0 : index
    %get3A_6 = arith.constant 0 : index
    %get3A_7 = vector.load %arg4[%get3A_5, %get3A_6] : memref<256x256xf32, #tpu.memory_space<vmem>>, vector<256x256xf32>
    %dot_general3A = arith.constant dense<0.000000e+00> : vector<2304x256xf32>
    %dot_general3A_8 = tpu.matmul %sub3A, %get3A_7, %dot_general3A {dimension_numbers = #tpu.dot_dimension_numbers<[1], [0], [0], [1], [0, 0, 1, 1], [], []>, transpose_lhs_hint = false} : vector<2304x256xf32>, vector<256x256xf32>, vector<2304x256xf32> -> vector<2304x256xf32>
    %get3A_9 = arith.constant 0 : index
    %get3A_10 = arith.constant 0 : index
    %get3A_11 = vector.load %arg5[%get3A_9, %get3A_10] : memref<1x256xf32, #tpu.memory_space<vmem>>, vector<1x256xf32>
    %add3A = vector.broadcast %get3A_11 : vector<1x256xf32> to vector<2304x256xf32>
    %add3A_12 = arith.addf %dot_general3A_8, %add3A : vector<2304x256xf32>
    %max3A = arith.constant 0.000000e+00 : f32
    %max3A_13 = vector.broadcast %max3A : f32 to vector<2304x256xf32>
    %max3A_14 = arith.maximumf %add3A_12, %max3A_13 : vector<2304x256xf32>
    %get3A_15 = arith.constant 0 : index
    %get3A_16 = arith.constant 0 : index
    %get3A_17 = vector.load %arg6[%get3A_15, %get3A_16] : memref<256x256xf32, #tpu.memory_space<vmem>>, vector<256x256xf32>
    %dot_general3A_18 = arith.constant dense<0.000000e+00> : vector<2304x256xf32>
    %dot_general3A_19 = tpu.matmul %max3A_14, %get3A_17, %dot_general3A_18 {dimension_numbers = #tpu.dot_dimension_numbers<[1], [0], [0], [1], [0, 0, 1, 1], [], []>, transpose_lhs_hint = false} : vector<2304x256xf32>, vector<256x256xf32>, vector<2304x256xf32> -> vector<2304x256xf32>
    %add3A_20 = arith.addf %get3A_4, %dot_general3A_19 : vector<2304x256xf32>
    %get3A_21 = arith.constant 0 : index
    %get3A_22 = arith.constant 0 : index
    %get3A_23 = vector.load %arg7[%get3A_21, %get3A_22] : memref<1x256xf32, #tpu.memory_space<vmem>>, vector<1x256xf32>
    %add3A_24 = vector.broadcast %get3A_23 : vector<1x256xf32> to vector<2304x256xf32>
    %add3A_25 = arith.addf %add3A_20, %add3A_24 : vector<2304x256xf32>
    %swap3A = arith.constant 0 : index
    %swap3A_26 = arith.constant 0 : index
    %swap3A_27 = vector.load %arg8[%swap3A, %swap3A_26] : memref<2304x256xf32, #tpu.memory_space<vmem>>, vector<2304x256xf32>
    tpu.vector_store %arg8[%swap3A, %swap3A_26], %add3A_25 {strides = array<i32>} : memref<2304x256xf32, #tpu.memory_space<vmem>>, vector<2304x256xf32>,
    %get3A_28 = arith.constant 0 : index
    %get3A_29 = arith.constant 0 : index
    %get3A_30 = vector.load %arg3[%get3A_28, %get3A_29] : memref<1x2304xf32, #tpu.memory_space<vmem>>, vector<1x2304xf32>
    %reduce_sum3A = vector.shape_cast %get3A_30 : vector<1x2304xf32> to vector<1x1x2304xf32>
    %reduce_sum3A_31 = arith.constant dense<0.000000e+00> : vector<1xf32>
    %reduce_sum3A_32 = vector.multi_reduction <add>, %reduce_sum3A, %reduce_sum3A_31 [1, 2] : vector<1x1x2304xf32> to vector<1xf32>
    %reduce_sum3A_33 = vector.shape_cast %reduce_sum3A_32 : vector<1xf32> to vector<1x1x1xf32>
    %reduce_sum3A_34 = vector.extract %reduce_sum3A_33[0, 0, 0] : f32 from vector<1x1x1xf32>
    %broadcast_in_dim3A = vector.broadcast %reduce_sum3A_34 : f32 to vector<1x1xf32>
    %mul3A = arith.mulf %get3A_1, %get3A_1 : vector<2304x256xf32>
    %reduce_sum3A_35 = vector.shape_cast %mul3A : vector<2304x256xf32> to vector<1x2304x256xf32>
    %reduce_sum3A_36 = arith.constant dense<0.000000e+00> : vector<1xf32>
    %reduce_sum3A_37 = vector.multi_reduction <add>, %reduce_sum3A_35, %reduce_sum3A_36 [1, 2] : vector<1x2304x256xf32> to vector<1xf32>
    %reduce_sum3A_38 = vector.shape_cast %reduce_sum3A_37 : vector<1xf32> to vector<1x1x1xf32>
    %reduce_sum3A_39 = vector.extract %reduce_sum3A_38[0, 0, 0] : f32 from vector<1x1x1xf32>
    %broadcast_in_dim3A_40 = vector.broadcast %reduce_sum3A_39 : f32 to vector<1x1xf32>
    %add3A_41 = arith.addf %broadcast_in_dim3A, %broadcast_in_dim3A_40 : vector<1x1xf32>
    %eq3A = arith.constant 0 : i32
    %eq3A_42 = arith.cmpi eq, %arg0, %eq3A : i32
    %broadcast_in_dim3A_43 = arith.constant 0.000000e+00 : f32
    %broadcast_in_dim3A_44 = vector.broadcast %broadcast_in_dim3A_43 : f32 to vector<1x1xf32>
    %get3A_45 = arith.constant 0 : index
    %get3A_46 = arith.constant 0 : index
    %get3A_47 = vector.load %arg9[%get3A_45, %get3A_46] : memref<1x1xf32, #tpu.memory_space<vmem>>, vector<1x1xf32>
    %select_n3A = arith.select %eq3A_42, %broadcast_in_dim3A_44, %get3A_47 : vector<1x1xf32>
    %add3A_48 = arith.addf %select_n3A, %add3A_41 : vector<1x1xf32>
    %eq3A_49 = arith.constant 0 : i32
    %eq3A_50 = arith.cmpi eq, %arg0, %eq3A_49 : i32
    %mul3A_51 = arith.constant 1.08506945E-4 : f32
    %mul3A_52 = vector.broadcast %mul3A_51 : f32 to vector<1x1xf32>
    %mul3A_53 = arith.mulf %add3A_48, %mul3A_52 : vector<1x1xf32>
    %select_n3A_54 = arith.select %eq3A_50, %mul3A_53, %add3A_48 : vector<1x1xf32>
    %swap3A_55 = arith.constant 0 : index
    %swap3A_56 = arith.constant 0 : index
    %swap3A_57 = vector.load %arg9[%swap3A_55, %swap3A_56] : memref<1x1xf32, #tpu.memory_space<vmem>>, vector<1x1xf32>
    tpu.vector_store %arg9[%swap3A_55, %swap3A_56], %select_n3A_54 {strides = array<i32>} : memref<1x1xf32, #tpu.memory_space<vmem>>, vector<1x1xf32>,
    return
  }
  func.func @transform_0(%arg0: i32) -> (i32, i32) {
    %c0_i32 = arith.constant 0 : i32
    %c0_i32_0 = arith.constant 0 : i32
    return %arg0, %c0_i32 : i32, i32
  }
  func.func @transform_1(%arg0: i32) -> (i32, i32) {
    %c0_i32 = arith.constant 0 : i32
    %c0_i32_0 = arith.constant 0 : i32
    return %arg0, %c0_i32 : i32, i32
  }
  func.func @transform_2(%arg0: i32) -> (i32, i32) {
    %c0_i32 = arith.constant 0 : i32
    %c0_i32_0 = arith.constant 0 : i32
    return %c0_i32, %arg0 : i32, i32
  }
  func.func @transform_3(%arg0: i32) -> (i32, i32) {
    %c0_i32 = arith.constant 0 : i32
    %c0_i32_0 = arith.constant 0 : i32
    %c0_i32_1 = arith.constant 0 : i32
    return %c0_i32, %c0_i32_0 : i32, i32
  }
  func.func @transform_4(%arg0: i32) -> (i32, i32) {
    %c0_i32 = arith.constant 0 : i32
    %c0_i32_0 = arith.constant 0 : i32
    %c0_i32_1 = arith.constant 0 : i32
    return %c0_i32, %c0_i32_0 : i32, i32
  }
  func.func @transform_5(%arg0: i32) -> (i32, i32) {
    %c0_i32 = arith.constant 0 : i32
    %c0_i32_0 = arith.constant 0 : i32
    %c0_i32_1 = arith.constant 0 : i32
    return %c0_i32, %c0_i32_0 : i32, i32
  }
  func.func @transform_6(%arg0: i32) -> (i32, i32) {
    %c0_i32 = arith.constant 0 : i32
    %c0_i32_0 = arith.constant 0 : i32
    %c0_i32_1 = arith.constant 0 : i32
    return %c0_i32, %c0_i32_0 : i32, i32
  }
  func.func @transform_7(%arg0: i32) -> (i32, i32) {
    %c0_i32 = arith.constant 0 : i32
    %c0_i32_0 = arith.constant 0 : i32
    return %arg0, %c0_i32 : i32, i32
  }
  func.func @transform_8(%arg0: i32) -> (i32, i32) {
    %c0_i32 = arith.constant 0 : i32
    %c0_i32_0 = arith.constant 0 : i32
    %c0_i32_1 = arith.constant 0 : i32
    return %c0_i32, %c0_i32_0 : i32, i32
  }
}

</mosaic_0001>

<sc_bundles>
// kernel: kernel.5.cloned.1.call-start
scs
__scs_entry_jumppad:
0x0: {  	(pc) =	sbr.rel $0x88, $3  }
0x1: {  	(tag) =	ssettag $0x0;
	lr =	simm.s32 $0x1  }
0x2: {  	[smem:$0x3F9B] =	sst lr;
	_ =	strace $0xD0000000  }
0x3: {  	_ = 	snop  }
0x4: {  	_ = 	snop  }
0x5: {  	_ = 	snop  }
0x6: {  	_ = 	snop  }
0x7: {  	_ = 	snop  }
__scs_overlays_trampoline_lowered:
0x8: {  	[smem:$0x3FAA] =	sst s0  }
0x9: {  	[smem:$0x3FAB] =	sst s1  }
0xa: {  	[smem:$0x3FAC] =	sst s2  }
0xb: {  	[smem:$0x3FAD] =	sst s3  }
0xc: {  	[smem:$0x3FAE] =	sst s4  }
0xd: {  	[smem:$0x3FAF] =	sst s5  }
0xe: {  	[smem:$0x3FB0] =	sst s6  }
0xf: {  	[smem:$0x3FB1] =	sst s7  }
0x10: {  	[smem:$0x3FB2] =	sst s8  }
0x11: {  	[smem:$0x3FB3] =	sst s9;
	s0 =	simm.s32 @!p0 $0x0  }
0x12: {  	s1 =	sld [smem:$0x3F99];
	s0 =	simm.s32 @p0 $0x1  }
0x13: {  	[smem:$0x3FB4] =	sst s0;
	s0 =	simm.s32 @!p1 $0x0  }
0x14: {  	s2 =	sld [smem:$0x3F98];
	s0 =	simm.s32 @p1 $0x1  }
0x15: {  	[smem:$0x3FB5] =	sst s0;
	s0 =	simm.s32 @!p2 $0x0  }
0x16: {  	s3 =	sld [smem:$0x3FDB];
	s0 =	simm.s32 @p2 $0x1  }
0x17: {  	s4 =	simm.s32 $0x1BF5;
	[smem:$0x3FB7] =	sst s0  }
0x18: {  	s0 =	sld [smem:$0x3F9A];
	_ =	swait.ge [sflag:s4], $0x0  }
0x19: {  	s7 =	sld [smem:$0x3F9B]  }
0x1a: {  	s8 =	sadd.s32 $0xFFFFE003, lr  }
0x1b: {  	s9 =	sadd.s32 $0xFFFFFEF7, lr;
	s5 =	simm.s32 $0xFFFFFFFF;
	p2 =	slt.u32 s8, $0xFFFFF086  }
0x1c: {  	p1 =	slt.u32 s9, $0xF7A;
	s5 =	simm.s32 @!p2 $0x0  }
0x1d: {  	s5 =	simm.s32 @p1 $0x1;
	p0 =	seq.s32 s7, s2  }
0x1e: {  	s7 =	smul.u32 @!p0 $0xF7A, s2;
	p2 =	seq.s32 @!p0 s5, $0x0  }
0x1f: {  	s9 =	smul.u32 $0xF7A, s1;
	s8 =	simm.s32 @!p0 $0x1BF5;
	p2 =	por !p2, p0  }
0x20: {  	[sflag:s8] =	ssyncset.s32 @!p0 $0xFFFFF086;
	s6 =	sadd.s32 @!p0 s3, s7;
	s7 =	simm.s32 @!p0 $0x108  }
0x21: {  	s3 =	sadd.s32 s3, s9;
	s6 =	sadd.s32 @!p0 $0x88, s6;
	s7 =	simm.s32 @p2 $0x1082  }
0x22: {  	[simem:s7], [sflag:s8] =	dma.local @!p0 [hbm:s6], $0xF7A  }
0x23: {  	s9 =	sor.u32 $0xD0000000, s2;
	s6 =	simm.s32 $0x108;
	_ =	swait.ge @!p0 [sflag:s8], $0x0  }
0x24: {  	s3 =	sadd.s32 $0x88, s3;
	s6 =	simm.s32 @!p1 $0x1082;
	[sflag:s4] =	ssyncset.s32 $0xFFFFF086  }
0x25: {  	[simem:s6], [sflag:s4] =	dma.local [hbm:s3], $0xF7A  }
0x26: {  	[smem:$0x3F9B] =	sst s1;
	(tag) =	ssettag s2;
	_ =	strace s9  }
0x27: {  	s1 =	sld [smem:$0x3FAB]  }
0x28: {  	s2 =	sld [smem:$0x3FAC]  }
0x29: {  	s4 =	sld [smem:$0x3FAE]  }
0x2a: {  	p0 =	seq.s32 s5, $0x0;
	s5 =	sld [smem:$0x3FAF]  }
0x2b: {  	s6 =	sld [smem:$0x3FB0]  }
0x2c: {  	s7 =	sld [smem:$0x3FB1]  }
0x2d: {  	s3 =	simm.s32 $0x108;
	s8 =	sld [smem:$0x3FB2]  }
0x2e: {  	s3 =	simm.s32 @!p0 $0x1082;
	s9 =	sld [smem:$0x3FB3]  }
0x2f: {  	lr =	sadd.s32 s0, s3;
	s0 =	sld [smem:$0x3FAA]  }
0x30: {  	s3 =	sld [smem:$0x3FAD]  }
0x31: {  	[smem:$0x3FB6] =	sst s10  }
0x32: {  	s10 =	sld [smem:$0x3FB4];
	_ =	sdelay $0x3  }
0x33: {  	p0 =	seq.s32 s10, $0x1;
	s10 =	sld [smem:$0x3FB6];
	_ =	sdelay $0x3  }
0x34: {  	[smem:$0x3FB6] =	sst s10  }
0x35: {  	s10 =	sld [smem:$0x3FB5];
	_ =	sdelay $0x3  }
0x36: {  	p1 =	seq.s32 s10, $0x1;
	s10 =	sld [smem:$0x3FB6];
	_ =	sdelay $0x3  }
0x37: {  	[smem:$0x3FB6] =	sst s10  }
0x38: {  	s10 =	sld [smem:$0x3FB7]  }
0x39: {  	_ = 	snop;
	(pc) =	sbr.ind lr, $3  }
0x3a: {  	_ = 	snop  }
0x3b: {  	_ = 	snop  }
0x3c: {  	p2 =	seq.s32 s10, $0x1;
	s10 =	sld [smem:$0x3FB6]  }
0x3d: {  	_ =	shalt  }
0x3e: {  	_ =	shalt  }
0x3f: {  	_ =	shalt  }
0x40: {  	_ =	shalt  }
0x41: {  	_ =	shalt  }
0x42: {  	_ =	shalt  }
0x43: {  	_ =	shalt  }
0x44: {  	_ =	shalt  }
0x45: {  	_ =	shalt  }
0x46: {  	_ =	shalt  }
0x47: {  	_ =	shalt  }
0x48: {  	_ =	shalt  }
0x49: {  	_ =	shalt  }
0x4a: {  	_ =	shalt  }
0x4b: {  	_ =	shalt  }
0x4c: {  	_ =	shalt  }
0x4d: {  	_ =	shalt  }
0x4e: {  	_ =	shalt  }
0x4f: {  	_ =	shalt  }
0x50: {  	_ =	shalt  }
0x51: {  	_ =	shalt  }
0x52: {  	_ =	shalt  }
0x53: {  	_ =	shalt  }
0x54: {  	_ =	shalt  }
0x55: {  	_ =	shalt  }
0x56: {  	_ =	shalt  }
0x57: {  	_ =	shalt  }
0x58: {  	_ =	shalt  }
0x59: {  	_ =	shalt  }
0x5a: {  	_ =	shalt  }
0x5b: {  	_ =	shalt  }
0x5c: {  	_ =	shalt  }
0x5d: {  	_ =	shalt  }
0x5e: {  	_ =	shalt  }
0x5f: {  	_ =	shalt  }
0x60: {  	_ =	shalt  }
0x61: {  	_ =	shalt  }
0x62: {  	_ =	shalt  }
0x63: {  	_ =	shalt  }
0x64: {  	_ =	shalt  }
0x65: {  	_ =	shalt  }
0x66: {  	_ =	shalt  }
0x67: {  	_ =	shalt  }
0x68: {  	_ =	shalt  }
0x69: {  	_ =	shalt  }
0x6a: {  	_ =	shalt  }
0x6b: {  	_ =	shalt  }
0x6c: {  	_ =	shalt  }
0x6d: {  	_ =	shalt  }
0x6e: {  	_ =	shalt  }
0x6f: {  	_ =	shalt  }
0x70: {  	_ =	shalt  }
0x71: {  	_ =	shalt  }
0x72: {  	_ =	shalt  }
0x73: {  	_ =	shalt  }
0x74: {  	_ =	shalt  }
0x75: {  	_ =	shalt  }
0x76: {  	_ =	shalt  }
0x77: {  	_ =	shalt  }
0x78: {  	_ =	shalt  }
0x79: {  	_ =	shalt  }
0x7a: {  	_ =	shalt  }
0x7b: {  	_ =	shalt  }
0x7c: {  	_ =	shalt  }
0x7d: {  	_ =	shalt  }
0x7e: {  	_ =	shalt  }
0x7f: {  	_ =	shalt  }
0x80: {  	_ =	shalt  }
0x81: {  	_ =	shalt  }
0x82: {  	_ =	shalt  }
0x83: {  	_ =	shalt  }
0x84: {  	_ =	shalt  }
0x85: {  	_ =	shalt  }
0x86: {  	_ =	shalt  }
0x87: {  	_ =	shalt  }
.Lfunc_end0:
.L_simem_size_0:
called_computation_lowered:
.L_overlay_start_0:
0x88: {  	s2 =	sld [smem:$0x3FD9]  }
0x89: {  	s3 =	sld [smem:$0x3FFE];
	_ =	sdelay $0x1  }
0x8a: {  	s1 =	srdreg.scid  }
0x8b: {  	s0 =	sand.u32 $0x1, s1  }
0x8c: {  	s14 =	sshll.u32 s0, $0xA;
	s2 =	sadd.s32 s3, s2  }
0x8d: {  	s2 =	sadd.s32 s2, s14  }
0x8e: {  	[smem:$0x3FC2] =	sst s2  }
0x8f: {  	_ = 	snop  }
0x90: {  	s2 =	sld [smem:$0x3FD0];
	_ =	sdelay $0x2  }
0x91: {  	s4 =	simm.s32 $0xA;
	s5 =	simm.s32 $0x10;
	s15 =	sld [smem:$0x3FC8]  }
0x92: {  	[smem:s5], [sflag:s4] =	dma.local [hbm:s2], $0x1  }
0x93: {  	_ =	swait.eq [sflag:s4], $0x1  }
0x94: {  	[sflag:s4] =	ssyncset.done $0x0  }
0x95: {  	[sflag:s4] =	ssyncadd.s32 $0xFFFFFFFF  }
0x96: {  	s16 =	sld [smem:$0x10];
	(tm) =	ssettm $0x1  }
0x97: {  	s17 =	sld [smem:$0x3FFB];
	_ =	sdelay $0x3  }
0x98: {  	_ =	strace s17  }
0x99: {  	s4 =	sld [smem:$0x3FFC];
	_ =	sdelay $0x3  }
0x9a: {  	_ =	strace s4  }
0x9b: {  	s4 =	sld [smem:$0x3FFD];
	_ =	sdelay $0x3  }
0x9c: {  	_ =	strace s4  }
0x9d: {  	_ =	strace $0x8FFFFFFF  }
0x9e: {  	s18 =	sld [smem:$0x3FDB];
	_ =	sdelay $0x1  }
0x9f: {  	s19 =	simm.s32 $_scs_section_size  }
0xa0: {  	s6 =	simm.s32 $_size__tile_overlayer_lowered;
	s7 =	simm.s32 $_tile_overlayer_lowered  }
0xa1: {  	s22 =	simm.s32 $0x1BFF;
	s21 =	sshll.u32 s7, $0x1;
	s4 =	sadd.s32 s19, s18  }
0xa2: {  	s8 =	simm.s32 $0x0;
	s20 =	sshll.u32 s6, $0x1;
	s6 =	sadd.s32 s21, s4  }
0xa3: {  	[timem:s8], [sflag:s22] =	dma.local [hbm:s6], s20  }
0xa4: {  	_ =	swait.ge [sflag:s22], s20  }
0xa5: {  	s5 =	ssub.s32 $0x0, s20;
	[sflag:s22] =	ssyncset.done $0x0  }
0xa6: {  	[sflag:s22] =	ssyncadd.s32 s5;
	_ =	sdelay $0x1  }
0xa7: {  	s23 =	simm.s32 $0x1B8B  }
0xa8: {  	_ =	swait.ge [sflag:s23], $0x1  }
0xa9: {  	[sflag:s23] =	ssyncset.done $0x0  }
0xaa: {  	s25 =	simm.s32 $0x1B8E;
	s24 =	sld [smem:$0x3FFE];
	[sflag:s23] =	ssyncadd.s32 $0xFFFFFFFF  }
0xab: {  	s26 =	simm.s32 $execute0_lowered;
	[smem:$0x3FD2] =	sst s25  }
0xac: {  	s6 =	sshll.u32 s26, $0x1;
	_ =	strace $0x80000046;
	[dreg:$0x1] =	wrdreg $0xFFFFFFFF  }
0xad: {  	s28 =	simm.s32 $_size_execute0_lowered;
	s4 =	sadd.s32 s4, s6;
	[dreg:$0x0] =	wrdreg $0x0  }
0xae: {  	s6 =	sshll.u32 s28, $0x1;
	[dreg:$0x2] =	wrdreg s4  }
0xaf: {  	[dreg:$0x3] =	wrdreg s6  }
0xb0: {  	[dreg:$0x4] =	wrdreg $0xC0  }
0xb1: {  	_ =	task [dreg:s8], $0x5FFFF  }
0xb2: {  	[dreg:$0x1] =	wrdreg $0xFFFFFFFF  }
0xb3: {  	[dreg:$0x0] =	wrdreg $0x60  }
0xb4: {  	[dreg:$0x2] =	wrdreg s15  }
0xb5: {  	[dreg:$0x3] =	wrdreg s24  }
0xb6: {  	[dreg:$0x4] =	wrdreg s16  }
0xb7: {  	[dreg:$0x5] =	wrdreg $0x9  }
0xb8: {  	_ =	task.clear_ibuf [dreg:s8], $0x6FFFF;
	_ =	strace $0x90000046  }
0xb9: {  	s29 =	simm.s32 $0x9;
	_ =	strace $0x80000048  }
0xba: {  	_ =	swait.ge [sflag:s29], $0x1  }
0xbb: {  	[sflag:s29] =	ssyncadd.s32 $0xFFFFFFFF  }
0xbc: {  	_ =	strace $0x90000048  }
0xbd: {  	_ =	sfence  }
0xbe: {  	s30 =	sld [smem:$0x0];
	_ =	sdelay $0x2  }
0xbf: {  	s31 =	sshll.u32 s1, $0xD;
	s1 =	sshrl.u32 s1, $0x2  }
0xc0: {  	s3 =	sand.u32 $0x4000, s31;
	s1 =	sadd.s32 s1, s30  }
0xc1: {  	s0 =	sor.u32 s3, s0;
	s1 =	sshll.u32 s1, $0x11  }
0xc2: {  	s0 =	sor.u32 s1, s0  }
0xc3: {  	s0 =	sadd.s32 $0x8F2B, s0  }
0xc4: {  	[sflag:s0] =	ssyncadd.remote.s32 $0x1  }
0xc5: {  	_ =	sfence.sel $0xFFFF  }
0xc6: {  	[dreg:$0x0] =	wrdreg $0xFFFFFFFF;
	(pc) =	sbr.abs _section_cstart, $3  }
0xc7: {  	[dreg:$0x1] =	wrdreg $0xFFFFFFFF  }
0xc8: {  	_ =	task.clear_ibuf [dreg:s8], $0x2FFFF;
	_ =	strace $0x9FFFFFFF  }
0xc9: {  	(tm) =	ssettm $0x7FFFFFFF  }
tec
execute0_lowered:
.L_overlay_start_1:
0x0: {  	(tag) =	ssettag $0x1  }
0x1: {  	s1 =	rddreg [dreg:$0x0];
	s2 =	srdreg.scid  }
0x2: {  	s0 =	stileid.u32;
	s4 =	rddreg [dreg:$0x1]  }
0x3: {  	s6 =	rddreg [dreg:$0x2];
	s3 =	simm.s32 $0x0;
	s10 =	simm.s32 $0x880  }
0x4: {  	s11 =	simm.s32 $0x1080;
	s12 =	simm.s32 $0x1880;
	s13 =	simm.s32 $0x2080  }
0x5: {  	s14 =	simm.s32 $0x2880;
	s5 =	sand.u32 $0x1, s2;
	s30 =	sshll.u32 s0, $0x1  }
0x6: {  	s15 =	simm.s32 $0x3080;
	s16 =	simm.s32 $0x3880;
	s7 =	sor.u32 s5, s30  }
0x7: {  	s17 =	simm.s32 $0x4080;
	s18 =	simm.s32 $0x1;
	s8 =	smul.u32 $0x9, s7  }
0x8: {  	s19 =	simm.s32 $0x2;
	s2 =	rddreg [dreg:$0x3];
	s9 =	smul.u32 $0x4800, s7  }
0x9: {  	[smem:$0x7FF] =	sst s3;
	s5 =	ssub.s32 $0x2, s5;
	s7 =	smul.u32 $0x900, s7  }
0xa: {  	_ =	strace $0x80000047;
	s31 =	sshrl.u32 s5, $0x1;
	s4 =	sadd.s32 s8, s4  }
0xb: {  	v2 =	vlaneseq.u32;
	s9 =	sshrl.u32 s9, $0x3;
	s8 =	ssub.s32 s5, s31;
	s5 =	sadd.s32 s6, s7  }
0xc: {  	vm0 =	vmmov $0xffff;
	v1 =	vshrl.u32 v2, $0x3;
	s4 =	sadd.s32 $0x1200, s4;
	s9 =	sadd.s32 s6, s9;
	s7 =	smax.u32 s8, $0x1  }
0xd: {  	v0 =	vand.u32 $0x7, v2;
	v2 =	vor.u32 $0x8, v2;
	v1 =	vmul.u32 $0x8, v1;
	s8 =	simm.s32 $0x3;
	s6 =	sadd.s32 $0x500, s9;
	s9 =	simm.s32 $0x80  }
.LBB2_1:
0xe: {  	[tilespmem:s3], [sflag:$0x3] =	stream.linear.gather [hbm4b:s4+s3], $0x48, $0x38;
	[tilespmem:$0x4880] =	vst v63  }
0xf: {  	_ =	swait.ge [sflag:s8], $0x48  }
0x10: {  	[sflag:s8] =	ssyncset.done $0x0  }
0x11: {  	[sflag:s8] =	ssyncadd.s32 $0xFFFFFFB8  }
0x12: {  	v3 =	vld [tilespmem:$0x0];
	_ =	sdelay $0x4  }
0x13: {  	v4 =	vshll.u32 v3, $0x1  }
0x14: {  	v3 =	vand.u32 $0x7, v3;
	v4 =	vand.u32 $0xFFFFFFF0, v4  }
0x15: {  	v3 =	vor.u32 v3, v4  }
0x16: {  	v4 =	vperm.xlane v3, v0;
	_ =	sdelay $0x1  }
0x17: {  	v3 =	vperm.xlane v3, v2;
	v4 =	vadd.s32 v1, v4;
	_ =	sdelay $0x1  }
0x18: {  	v3 =	vadd.s32 v1, v3;
	_ =	sdelay $0x2  }
0x19: {  	[tilespmem:s9], [sflag:$0x1] =	stream.indirect_vreg.gather [hbm4b:s1+s3], $0x80, v4, vm0, $0xb8;
	[tilespmem:$0x4880] =	vst v63  }
0x1a: {  	_ = 	snop  }
0x1b: {  	[tilespmem:s10], [sflag:$0x1] =	stream.indirect_vreg.gather [hbm4b:s1+s3], $0x80, v3, vm0, $0xb8;
	[tilespmem:$0x4880] =	vst v63  }
0x1c: {  	v3 =	vld [tilespmem:$0x10];
	_ =	sdelay $0x4  }
0x1d: {  	v60 =	vshll.u32 v3, $0x1  }
0x1e: {  	v3 =	vand.u32 $0x7, v3;
	v4 =	vand.u32 $0xFFFFFFF0, v60  }
0x1f: {  	v3 =	vor.u32 v3, v4  }
0x20: {  	v4 =	vperm.xlane v3, v0;
	_ =	sdelay $0x1  }
0x21: {  	v3 =	vperm.xlane v3, v2;
	v4 =	vadd.s32 v1, v4;
	_ =	sdelay $0x1  }
0x22: {  	v3 =	vadd.s32 v1, v3;
	_ =	sdelay $0x2  }
0x23: {  	[tilespmem:s11], [sflag:$0x1] =	stream.indirect_vreg.gather [hbm4b:s1+s3], $0x80, v4, vm0, $0xb8;
	[tilespmem:$0x4880] =	vst v63  }
0x24: {  	_ = 	snop  }
0x25: {  	[tilespmem:s12], [sflag:$0x1] =	stream.indirect_vreg.gather [hbm4b:s1+s3], $0x80, v3, vm0, $0xb8;
	[tilespmem:$0x4880] =	vst v63  }
0x26: {  	v3 =	vld.msk [tilespmem:$0x20], $0xff;
	_ =	sdelay $0x4  }
0x27: {  	v61 =	vshll.u32 v3, $0x1  }
0x28: {  	v3 =	vand.u32 $0x7, v3;
	v4 =	vand.u32 $0xFFFFFFF0, v61  }
0x29: {  	v3 =	vor.u32 v3, v4  }
0x2a: {  	v3 =	vperm.xlane v3, v0;
	_ =	sdelay $0x1  }
0x2b: {  	v3 =	vadd.s32 v1, v3;
	_ =	sdelay $0x4  }
0x2c: {  	[tilespmem:s13], [sflag:$0x1] =	stream.indirect_vreg.gather [hbm4b:s1+s3], $0x80, v3, vm0, $0xb8;
	[tilespmem:$0x4880] =	vst v63  }
0x2d: {  	v3 =	vld [tilespmem:$0x28];
	_ =	sdelay $0x4  }
0x2e: {  	v62 =	vshll.u32 v3, $0x1  }
0x2f: {  	v3 =	vand.u32 $0x7, v3;
	v4 =	vand.u32 $0xFFFFFFF0, v62  }
0x30: {  	v3 =	vor.u32 v3, v4  }
0x31: {  	v4 =	vperm.xlane v3, v0;
	_ =	sdelay $0x1  }
0x32: {  	v3 =	vperm.xlane v3, v2;
	v4 =	vadd.s32 v1, v4;
	_ =	sdelay $0x1  }
0x33: {  	v3 =	vadd.s32 v1, v3;
	_ =	sdelay $0x2  }
0x34: {  	[tilespmem:s14], [sflag:$0x1] =	stream.indirect_vreg.gather [hbm4b:s1+s3], $0x80, v4, vm0, $0xb8;
	[tilespmem:$0x4880] =	vst v63  }
0x35: {  	_ = 	snop  }
0x36: {  	[tilespmem:s15], [sflag:$0x1] =	stream.indirect_vreg.gather [hbm4b:s1+s3], $0x80, v3, vm0, $0xb8;
	[tilespmem:$0x4880] =	vst v63  }
0x37: {  	v3 =	vld [tilespmem:$0x38];
	_ =	sdelay $0x4  }
0x38: {  	v63 =	vshll.u32 v3, $0x1  }
0x39: {  	v3 =	vand.u32 $0x7, v3;
	v4 =	vand.u32 $0xFFFFFFF0, v63  }
0x3a: {  	v3 =	vor.u32 v3, v4  }
0x3b: {  	v4 =	vperm.xlane v3, v0;
	_ =	sdelay $0x1  }
0x3c: {  	v3 =	vperm.xlane v3, v2;
	v4 =	vadd.s32 v1, v4;
	_ =	sdelay $0x1  }
0x3d: {  	v3 =	vadd.s32 v1, v3;
	_ =	sdelay $0x2  }
0x3e: {  	[tilespmem:s16], [sflag:$0x1] =	stream.indirect_vreg.gather [hbm4b:s1+s3], $0x80, v4, vm0, $0xb8;
	[tilespmem:$0x4880] =	vst v63  }
0x3f: {  	_ = 	snop  }
0x40: {  	[tilespmem:s17], [sflag:$0x1] =	stream.indirect_vreg.gather [hbm4b:s1+s3], $0x80, v3, vm0, $0xb8;
	[tilespmem:$0x4880] =	vst v63  }
0x41: {  	_ =	swait.ge [sflag:s18], $0x2800  }
0x42: {  	[sflag:s18] =	ssyncset.done $0x0  }
0x43: {  	[sflag:s18] =	ssyncadd.s32 $0xFFFFD800  }
0x44: {  	[hbm4b:s5+s3] =	stream.linear.scatter [tilespmem:s9], [sflag:$0x2], $0x2800, $0x38;
	[tilespmem:$0x4880] =	vst v63  }
0x45: {  	_ =	swait.ge [sflag:s18], $0x2000  }
0x46: {  	[sflag:s18] =	ssyncset.done $0x0  }
0x47: {  	[sflag:s18] =	ssyncadd.s32 $0xFFFFE000  }
0x48: {  	[hbm4b:s6+s3] =	stream.linear.scatter [tilespmem:s14], [sflag:$0x2], $0x2000, $0x38;
	[tilespmem:$0x4880] =	vst v63  }
0x49: {  	p0 =	sne.s32 s7, $0x1;
	_ =	swait.ge [sflag:s19], $0x2800  }
.Ltmp0:
0x4a: {  	[sflag:s19] =	ssyncset.done $0x0;
	(pc) =	sbr.rel @p0 .LBB2_1-.Ltmp0, $4  }
0x4b: {  	[sflag:s19] =	ssyncadd.s32 $0xFFFFD800  }
0x4c: {  	_ =	swait.ge [sflag:s19], $0x2000  }
0x4d: {  	[sflag:s19] =	ssyncset.done $0x0  }
0x4e: {  	s7 =	sadd.s32 $0xFFFFFFFF, s7;
	[sflag:s19] =	ssyncadd.s32 $0xFFFFE000  }
0x4f: {  	_ =	sfence.sel $0x180000  }
0x50: {  	[bflag:$0x0] =	sbarrier.arrive $0xFFFF  }
0x51: {  	p0 =	sne.s32 s0, $0x0;
	_ =	strace $0x90000047  }
0x52: {  	s0 =	sadd.s32 @!p0 $0x100000, s2;
	[bflag:$0x2] =	sbarrier.arrive $0xFFFF  }
0x53: {  	[sflag:s0] =	ssyncadd.tile.s32 @!p0 $0x1;
	_ =	shalt  }
.Lfunc_end2:
_tile_overlayer_lowered:
.L_overlay_start_2:
0x54: {  	(tag) =	ssettag $0x2  }
0x55: {  	s0 =	rddreg [dreg:$0x0];
	s2 =	stileid.u32  }
0x56: {  	s1 =	rddreg [dreg:$0x1];
	p0 =	sne.s32 s2, $0x0  }
0x57: {  	s3 =	rddreg [dreg:$0x2];
	[bflag:$0x3] =	sbarrier.arrive $0xFFFF;
	s2 =	simm.s32 @!p0 $0x1C03  }
0x58: {  	[timem:s3], [sflag:s2] =	dma.local @!p0 [hbm:s0], s1  }
0x59: {  	s0 =	simm.s32 @!p0 $0x3  }
0x5a: {  	_ =	swait.ge @!p0 [sflag:s0], s1  }
0x5b: {  	s1 =	ssub.s32 @!p0 $0x0, s1;
	[sflag:s0] =	ssyncset.done @!p0 $0x0  }
0x5c: {  	[sflag:s0] =	ssyncadd.s32 @!p0 s1  }
0x5d: {  	[bflag:$0x3] =	sbarrier.arrive $0xFFFF  }
0x5e: {  	_ =	shalt  }

</sc_bundles>
